<compile_context>
chip_gen: v7x
topology: tpu7x:2x2x1
jax: 0.10.2.dev20260603
libtpu: 0.0.44.dev20260713+nightly
codegen_flags: <defaults>
</compile_context>

<pallas_src>
import functools

import jax
import jax.numpy as jnp
from jax import lax
from jax.experimental import pallas as pl
from jax.experimental.pallas import tpu as pltpu
from jax.experimental.pallas import tpu_sc as plsc


_PREC = lax.Precision.DEFAULT


def _sc_gather(table, idx3d, n_workers, b_per_w, n_chunks, chunk):
    D = table.shape[1]
    B = n_workers * b_per_w
    mesh = plsc.VectorSubcoreMesh(core_axis_name="c", subcore_axis_name="s")

    @functools.partial(
        pl.kernel,
        mesh=mesh,
        out_type=jax.ShapeDtypeStruct((B, D), jnp.float32),
        scratch_types=[
            pltpu.VMEM((n_chunks, chunk), jnp.int32),
            pltpu.VMEM((b_per_w, D), jnp.float32),
            pltpu.SemaphoreType.DMA((n_chunks,)),
            pltpu.SemaphoreType.DMA((n_chunks,)),
        ],
    )
    def k(table_hbm, idx_hbm, out_hbm, idx_v, rows_v, gsem, wsem):
        nc = lax.axis_size("c")
        wid = lax.axis_index("s") * nc + lax.axis_index("c")
        base = wid * b_per_w
        pltpu.sync_copy(idx_hbm.at[wid], idx_v)
        gathers = [
            pltpu.make_async_copy(
                table_hbm.at[idx_v.at[j]],
                rows_v.at[pl.ds(j * chunk, chunk)],
                gsem.at[j],
            )
            for j in range(n_chunks)
        ]
        writes = [
            pltpu.make_async_copy(
                rows_v.at[pl.ds(j * chunk, chunk)],
                out_hbm.at[pl.ds(base + j * chunk, chunk)],
                wsem.at[j],
            )
            for j in range(n_chunks)
        ]
        for g in gathers:
            g.start()
        for j in range(n_chunks):
            gathers[j].wait()
            writes[j].start()
        for w in writes:
            w.wait()

    return k(table, idx3d)


def _tc_body(xcf_ref, epc_ref,
             w1_ref, b1_ref, ecms_ref, efnf_ref, w2_ref, b2_ref, out_ref):
    blk = xcf_ref.shape[1]
    xcf = jnp.transpose(xcf_ref[...])
    h = jnp.dot(xcf[:, 0:3], w1_ref[...], precision=_PREC) + b1_ref[...]
    h = jnp.where(h >= 0, h, 0.01 * h)
    w2 = w2_ref[...]
    acc = jnp.dot(h, w2[0:64], precision=_PREC)
    t_cms = jnp.dot(ecms_ref[...], w2[64:96], precision=_PREC)
    iota4 = lax.broadcasted_iota(jnp.int32, (blk, 4), 1)
    oh_c = (xcf[:, 3:4].astype(jnp.int32) == iota4).astype(jnp.float32)
    acc += jnp.dot(oh_c, t_cms, precision=_PREC)
    t_fnf = jnp.dot(efnf_ref[...], w2[96:128], precision=_PREC)
    iota5 = lax.broadcasted_iota(jnp.int32, (blk, 5), 1)
    oh_f = (xcf[:, 4:5].astype(jnp.int32) == iota5).astype(jnp.float32)
    acc += jnp.dot(oh_f, t_fnf, precision=_PREC)
    acc += jnp.dot(epc_ref[...], w2[128:256], precision=_PREC)
    acc += b2_ref[...]
    out_ref[...] = jnp.maximum(acc, 0.0)


def _tc_fused(xcf, epc, W1, b1_2d, E_cms, E_fnf, W2, b2_2d, blk):
    B = epc.shape[0]
    grid = (B // blk,)
    row = lambda i: (i, 0)
    rep = lambda i: (0, 0)
    return pl.pallas_call(
        _tc_body,
        grid=grid,
        in_specs=[
            pl.BlockSpec((5, blk), lambda i: (0, i)),
            pl.BlockSpec((blk, 128), row),
            pl.BlockSpec((3, 64), rep),
            pl.BlockSpec((1, 64), rep),
            pl.BlockSpec((4, 32), rep),
            pl.BlockSpec((5, 32), rep),
            pl.BlockSpec((256, 64), rep),
            pl.BlockSpec((1, 64), rep),
        ],
        out_specs=pl.BlockSpec((blk, 64), row),
        out_shape=jax.ShapeDtypeStruct((B, 64), jnp.float32),
    )(xcf, epc, W1, b1_2d, E_cms, E_fnf, W2, b2_2d)


def kernel(FN, Active, age, club_member_status, fashion_news_frequency,
           postal_code, W1, b1, E_cms, E_fnf, E_pc, W2, b2):
    B = FN.shape[0]
    info = plsc.get_sparse_core_info()
    n_workers = info.num_cores * info.num_subcores
    b_per_w = B // n_workers
    chunk = 128
    n_chunks = b_per_w // chunk
    idx3d = postal_code.reshape(n_workers, n_chunks, chunk)
    epc = _sc_gather(E_pc, idx3d, n_workers, b_per_w, n_chunks, chunk)
    xcf = jnp.stack(
        [FN[:, 0], Active[:, 0], age[:, 0],
         club_member_status.astype(jnp.float32),
         fashion_news_frequency.astype(jnp.float32)], axis=0)
    return _tc_fused(
        xcf, epc, W1, b1.reshape(1, 64), E_cms, E_fnf, W2, b2.reshape(1, 64),
        blk=4096,
    )

# --- scband reference (transcript-rebuilt; emitter-appended) ---
"""Pipeline reference for scband-vector-5360119185508 (READ-ONLY COPY).

The authoritative reference and input builder live on the scoring server;
editing this copy changes nothing except your own understanding.
"""

import jax, jax.numpy as jnp
import numpy as np

B = 16384

def setup_inputs(seed: int = 0) -> dict:
    key = jax.random.key(seed)
    ks = jax.random.split(key, 12)
    inp = {}
    inp["FN"] = jax.random.normal(ks[0], (B, 1), dtype=jnp.float32)
    inp["Active"] = jax.random.normal(ks[1], (B, 1), dtype=jnp.float32)
    inp["age"] = jax.random.normal(ks[2], (B, 1), dtype=jnp.float32)
    inp["club_member_status"] = jax.random.randint(ks[3], (B,), 0, 4, dtype=jnp.int32)
    inp["fashion_news_frequency"] = jax.random.randint(ks[4], (B,), 0, 5, dtype=jnp.int32)
    inp["postal_code"] = jax.random.randint(ks[5], (B,), 0, 352899, dtype=jnp.int32)
    # learned parameters
    inp["W1"] = jax.random.normal(ks[6], (3, 64), dtype=jnp.float32) * 0.1
    inp["b1"] = jnp.zeros((64,), dtype=jnp.float32)
    inp["E_cms"] = jax.random.normal(ks[7], (4, 32), dtype=jnp.float32) * 0.1
    inp["E_fnf"] = jax.random.normal(ks[8], (5, 32), dtype=jnp.float32) * 0.1
    inp["E_pc"] = jax.random.normal(ks[9], (352899, 128), dtype=jnp.float32) * 0.1
    inp["W2"] = jax.random.normal(ks[10], (256, 64), dtype=jnp.float32) * 0.05
    inp["b2"] = jnp.zeros((64,), dtype=jnp.float32)
    return inp


def reference(FN, Active, age, club_member_status, fashion_news_frequency, postal_code,
              W1, b1, E_cms, E_fnf, E_pc, W2, b2):
    # FN+Active+age branch: Linear(3,64) + LeakyReLU (dropout is identity in eval)
    x = jnp.concatenate([FN, Active, age], axis=1)
    h = x @ W1 + b1
    h = jnp.where(h >= 0, h, 0.01 * h)
    # embedding lookups (squeeze(0) is a no-op for batch > 1)
    e_cms = jnp.take(E_cms, club_member_status, axis=0)
    e_fnf = jnp.take(E_fnf, fashion_news_frequency, axis=0)
    e_pc = jnp.take(E_pc, postal_code, axis=0)
    v = jnp.concatenate([h, e_cms, e_fnf, e_pc], axis=1)
    # core: Linear(256,64) + ReLU (dropout identity in eval)
    y = v @ W2 + b2
    return jnp.maximum(y, 0.0)

if __name__ == "__main__":
    import jax
    _d = setup_inputs()
    print(jax.jit(kernel)(*tuple(_d.values())))

</pallas_src>

<mosaic_0001>
#map = affine_map<(d0, d1) -> (0, 0)>
#map1 = affine_map<(d0, d1) -> (0, 0, 0)>
module attributes {stable_mosaic.version = 14 : i64} {
  func.func @k(%arg0: i32, %arg1: i32, %arg2: memref<352899x128xf32, #tpu.memory_space<hbm>>, %arg3: memref<32x4x128xi32, #tpu.memory_space<hbm>>, %arg4: memref<16384x128xf32, #tpu.memory_space<hbm>>, %arg5: memref<4x128xi32, #tpu.memory_space<vmem>>, %arg6: memref<512x128xf32, #tpu.memory_space<vmem>>, %arg7: memref<4x!tpu.dma_semaphore, #tpu.memory_space<semaphore_mem>>, %arg8: memref<4x!tpu.dma_semaphore, #tpu.memory_space<semaphore_mem>>) attributes {dimension_semantics = [#tpu.dimension_semantics<core_parallel>, #tpu.dimension_semantics<subcore_parallel>], iteration_bounds = array<i64: 2, 16>, scalar_prefetch = 0 : i64, scratch_operands = 4 : i64, tpu.core_type = #tpu.core_type<sc_vector_subcore>, window_params = [{transform_indices = #map}, {transform_indices = #map1}, {transform_indices = #map}]} {
    %mul3A = arith.constant 2 : i32
    %mul3A_0 = arith.muli %arg1, %mul3A : i32
    %add3A = arith.addi %mul3A_0, %arg0 : i32
    %mul3A_1 = arith.constant 512 : i32
    %mul3A_2 = arith.muli %add3A, %mul3A_1 : i32
    "tpu.region"() ({
      %run_scoped3A = tpu.sem_alloc : memref<!tpu.dma_semaphore, #tpu.memory_space<semaphore_mem>>
      %dma_start3A_217 = arith.constant 0 : i32
      %dma_start3A_218 = arith.constant 0 : i32
      %dma_start3A_219 = tpu.memref_slice %arg3[%add3A, %dma_start3A_217, %dma_start3A_218] : memref<32x4x128xi32, #tpu.memory_space<hbm>> -> memref<1x4x128xi32, #tpu.memory_space<hbm>>
      %dma_start3A_220 = tpu.memref_squeeze %dma_start3A_219 : memref<1x4x128xi32, #tpu.memory_space<hbm>> -> memref<4x128xi32, #tpu.memory_space<hbm>>
      %dma_start3A_221 = arith.constant 0 : i32
      %dma_start3A_222 = arith.constant 0 : i32
      %dma_start3A_223 = tpu.memref_slice %arg3[%add3A, %dma_start3A_221, %dma_start3A_222] : memref<32x4x128xi32, #tpu.memory_space<hbm>> -> memref<1x4x128xi32, #tpu.memory_space<hbm>>
      %dma_start3A_224 = tpu.memref_squeeze %dma_start3A_223 : memref<1x4x128xi32, #tpu.memory_space<hbm>> -> memref<4x128xi32, #tpu.memory_space<hbm>>
      tpu.enqueue_dma source(%dma_start3A_224 : memref<4x128xi32, #tpu.memory_space<hbm>>) target(%arg5 : memref<4x128xi32, #tpu.memory_space<vmem>>) target_semaphore(%run_scoped3A : memref<!tpu.dma_semaphore, #tpu.memory_space<semaphore_mem>>)
      %dma_wait3A_225 = arith.constant 0 : i32
      %dma_wait3A_226 = arith.constant 0 : i32
      %dma_wait3A_227 = tpu.memref_slice %arg3[%add3A, %dma_wait3A_225, %dma_wait3A_226] : memref<32x4x128xi32, #tpu.memory_space<hbm>> -> memref<1x4x128xi32, #tpu.memory_space<hbm>>
      %dma_wait3A_228 = tpu.memref_squeeze %dma_wait3A_227 : memref<1x4x128xi32, #tpu.memory_space<hbm>> -> memref<4x128xi32, #tpu.memory_space<hbm>>
      %dma_wait3A_229 = arith.constant 0 : i32
      %dma_wait3A_230 = arith.constant 0 : i32
      %dma_wait3A_231 = tpu.memref_slice %arg3[%add3A, %dma_wait3A_229, %dma_wait3A_230] : memref<32x4x128xi32, #tpu.memory_space<hbm>> -> memref<1x4x128xi32, #tpu.memory_space<hbm>>
      %dma_wait3A_232 = tpu.memref_squeeze %dma_wait3A_231 : memref<1x4x128xi32, #tpu.memory_space<hbm>> -> memref<4x128xi32, #tpu.memory_space<hbm>>
      tpu.wait_dma2 semaphore(%run_scoped3A : memref<!tpu.dma_semaphore, #tpu.memory_space<semaphore_mem>>) src(%dma_wait3A_232 : memref<4x128xi32, #tpu.memory_space<hbm>>) dst(%arg5 : memref<4x128xi32, #tpu.memory_space<vmem>>)
      tpu.yield
    }) : () -> ()
    %add3A_3 = arith.constant 0 : i32
    %add3A_4 = arith.addi %mul3A_2, %add3A_3 : i32
    %add3A_5 = arith.constant 128 : i32
    %add3A_6 = arith.addi %mul3A_2, %add3A_5 : i32
    %add3A_7 = arith.constant 256 : i32
    %add3A_8 = arith.addi %mul3A_2, %add3A_7 : i32
    %add3A_9 = arith.constant 384 : i32
    %add3A_10 = arith.addi %mul3A_2, %add3A_9 : i32
    %dma_start3A = arith.constant 0 : i32
    %dma_start3A_11 = arith.constant 0 : i32
    %dma_start3A_12 = arith.constant 0 : i32
    %dma_start3A_13 = arith.constant 0 : i32
    %dma_start3A_14 = tpu.memref_slice %arg6[%dma_start3A_12, %dma_start3A_13] : memref<512x128xf32, #tpu.memory_space<vmem>> -> memref<128x128xf32, #tpu.memory_space<vmem>>
    %dma_start3A_15 = arith.constant 0 : i32
    %dma_start3A_16 = tpu.memref_slice %arg5[%dma_start3A, %dma_start3A_15] : memref<4x128xi32, #tpu.memory_space<vmem>> -> memref<1x128xi32, #tpu.memory_space<vmem>>
    %dma_start3A_17 = tpu.memref_squeeze %dma_start3A_16 : memref<1x128xi32, #tpu.memory_space<vmem>> -> memref<128xi32, #tpu.memory_space<vmem>>
    %dma_start3A_18 = arith.constant 0 : i32
    %dma_start3A_19 = arith.constant 0 : i32
    %dma_start3A_20 = tpu.memref_slice %arg2[%dma_start3A_18, %dma_start3A_19] : memref<352899x128xf32, #tpu.memory_space<hbm>> -> memref<352899x128xf32, #tpu.memory_space<hbm>>
    %dma_start3A_21 = tpu.memref_slice %arg7[%dma_start3A_11] : memref<4x!tpu.dma_semaphore, #tpu.memory_space<semaphore_mem>> -> memref<1x!tpu.dma_semaphore, #tpu.memory_space<semaphore_mem>>
    %dma_start3A_22 = tpu.memref_squeeze %dma_start3A_21 : memref<1x!tpu.dma_semaphore, #tpu.memory_space<semaphore_mem>> -> memref<!tpu.dma_semaphore, #tpu.memory_space<semaphore_mem>>
    tpu.enqueue_indirect_dma source(%dma_start3A_20 : memref<352899x128xf32, #tpu.memory_space<hbm>>) target(%dma_start3A_14 : memref<128x128xf32, #tpu.memory_space<vmem>>) offsets(%dma_start3A_17 : memref<128xi32, #tpu.memory_space<vmem>>) semaphore(%dma_start3A_22 : memref<!tpu.dma_semaphore, #tpu.memory_space<semaphore_mem>>)
    %dma_start3A_23 = arith.constant 1 : i32
    %dma_start3A_24 = arith.constant 1 : i32
    %dma_start3A_25 = arith.constant 128 : i32
    %dma_start3A_26 = arith.constant 0 : i32
    %dma_start3A_27 = tpu.memref_slice %arg6[%dma_start3A_25, %dma_start3A_26] : memref<512x128xf32, #tpu.memory_space<vmem>> -> memref<128x128xf32, #tpu.memory_space<vmem>>
    %dma_start3A_28 = arith.constant 0 : i32
    %dma_start3A_29 = tpu.memref_slice %arg5[%dma_start3A_23, %dma_start3A_28] : memref<4x128xi32, #tpu.memory_space<vmem>> -> memref<1x128xi32, #tpu.memory_space<vmem>>
    %dma_start3A_30 = tpu.memref_squeeze %dma_start3A_29 : memref<1x128xi32, #tpu.memory_space<vmem>> -> memref<128xi32, #tpu.memory_space<vmem>>
    %dma_start3A_31 = arith.constant 0 : i32
    %dma_start3A_32 = arith.constant 0 : i32
    %dma_start3A_33 = tpu.memref_slice %arg2[%dma_start3A_31, %dma_start3A_32] : memref<352899x128xf32, #tpu.memory_space<hbm>> -> memref<352899x128xf32, #tpu.memory_space<hbm>>
    %dma_start3A_34 = tpu.memref_slice %arg7[%dma_start3A_24] : memref<4x!tpu.dma_semaphore, #tpu.memory_space<semaphore_mem>> -> memref<1x!tpu.dma_semaphore, #tpu.memory_space<semaphore_mem>>
    %dma_start3A_35 = tpu.memref_squeeze %dma_start3A_34 : memref<1x!tpu.dma_semaphore, #tpu.memory_space<semaphore_mem>> -> memref<!tpu.dma_semaphore, #tpu.memory_space<semaphore_mem>>
    tpu.enqueue_indirect_dma source(%dma_start3A_33 : memref<352899x128xf32, #tpu.memory_space<hbm>>) target(%dma_start3A_27 : memref<128x128xf32, #tpu.memory_space<vmem>>) offsets(%dma_start3A_30 : memref<128xi32, #tpu.memory_space<vmem>>) semaphore(%dma_start3A_35 : memref<!tpu.dma_semaphore, #tpu.memory_space<semaphore_mem>>)
    %dma_start3A_36 = arith.constant 2 : i32
    %dma_start3A_37 = arith.constant 2 : i32
    %dma_start3A_38 = arith.constant 256 : i32
    %dma_start3A_39 = arith.constant 0 : i32
    %dma_start3A_40 = tpu.memref_slice %arg6[%dma_start3A_38, %dma_start3A_39] : memref<512x128xf32, #tpu.memory_space<vmem>> -> memref<128x128xf32, #tpu.memory_space<vmem>>
    %dma_start3A_41 = arith.constant 0 : i32
    %dma_start3A_42 = tpu.memref_slice %arg5[%dma_start3A_36, %dma_start3A_41] : memref<4x128xi32, #tpu.memory_space<vmem>> -> memref<1x128xi32, #tpu.memory_space<vmem>>
    %dma_start3A_43 = tpu.memref_squeeze %dma_start3A_42 : memref<1x128xi32, #tpu.memory_space<vmem>> -> memref<128xi32, #tpu.memory_space<vmem>>
    %dma_start3A_44 = arith.constant 0 : i32
    %dma_start3A_45 = arith.constant 0 : i32
    %dma_start3A_46 = tpu.memref_slice %arg2[%dma_start3A_44, %dma_start3A_45] : memref<352899x128xf32, #tpu.memory_space<hbm>> -> memref<352899x128xf32, #tpu.memory_space<hbm>>
    %dma_start3A_47 = tpu.memref_slice %arg7[%dma_start3A_37] : memref<4x!tpu.dma_semaphore, #tpu.memory_space<semaphore_mem>> -> memref<1x!tpu.dma_semaphore, #tpu.memory_space<semaphore_mem>>
    %dma_start3A_48 = tpu.memref_squeeze %dma_start3A_47 : memref<1x!tpu.dma_semaphore, #tpu.memory_space<semaphore_mem>> -> memref<!tpu.dma_semaphore, #tpu.memory_space<semaphore_mem>>
    tpu.enqueue_indirect_dma source(%dma_start3A_46 : memref<352899x128xf32, #tpu.memory_space<hbm>>) target(%dma_start3A_40 : memref<128x128xf32, #tpu.memory_space<vmem>>) offsets(%dma_start3A_43 : memref<128xi32, #tpu.memory_space<vmem>>) semaphore(%dma_start3A_48 : memref<!tpu.dma_semaphore, #tpu.memory_space<semaphore_mem>>)
    %dma_start3A_49 = arith.constant 3 : i32
    %dma_start3A_50 = arith.constant 3 : i32
    %dma_start3A_51 = arith.constant 384 : i32
    %dma_start3A_52 = arith.constant 0 : i32
    %dma_start3A_53 = tpu.memref_slice %arg6[%dma_start3A_51, %dma_start3A_52] : memref<512x128xf32, #tpu.memory_space<vmem>> -> memref<128x128xf32, #tpu.memory_space<vmem>>
    %dma_start3A_54 = arith.constant 0 : i32
    %dma_start3A_55 = tpu.memref_slice %arg5[%dma_start3A_49, %dma_start3A_54] : memref<4x128xi32, #tpu.memory_space<vmem>> -> memref<1x128xi32, #tpu.memory_space<vmem>>
    %dma_start3A_56 = tpu.memref_squeeze %dma_start3A_55 : memref<1x128xi32, #tpu.memory_space<vmem>> -> memref<128xi32, #tpu.memory_space<vmem>>
    %dma_start3A_57 = arith.constant 0 : i32
    %dma_start3A_58 = arith.constant 0 : i32
    %dma_start3A_59 = tpu.memref_slice %arg2[%dma_start3A_57, %dma_start3A_58] : memref<352899x128xf32, #tpu.memory_space<hbm>> -> memref<352899x128xf32, #tpu.memory_space<hbm>>
    %dma_start3A_60 = tpu.memref_slice %arg7[%dma_start3A_50] : memref<4x!tpu.dma_semaphore, #tpu.memory_space<semaphore_mem>> -> memref<1x!tpu.dma_semaphore, #tpu.memory_space<semaphore_mem>>
    %dma_start3A_61 = tpu.memref_squeeze %dma_start3A_60 : memref<1x!tpu.dma_semaphore, #tpu.memory_space<semaphore_mem>> -> memref<!tpu.dma_semaphore, #tpu.memory_space<semaphore_mem>>
    tpu.enqueue_indirect_dma source(%dma_start3A_59 : memref<352899x128xf32, #tpu.memory_space<hbm>>) target(%dma_start3A_53 : memref<128x128xf32, #tpu.memory_space<vmem>>) offsets(%dma_start3A_56 : memref<128xi32, #tpu.memory_space<vmem>>) semaphore(%dma_start3A_61 : memref<!tpu.dma_semaphore, #tpu.memory_space<semaphore_mem>>)
    %dma_wait3A = arith.constant 0 : i32
    %dma_wait3A_62 = arith.constant 0 : i32
    %dma_wait3A_63 = arith.constant 0 : i32
    %dma_wait3A_64 = arith.constant 0 : i32
    %dma_wait3A_65 = tpu.memref_slice %arg6[%dma_wait3A_63, %dma_wait3A_64] : memref<512x128xf32, #tpu.memory_space<vmem>> -> memref<128x128xf32, #tpu.memory_space<vmem>>
    %dma_wait3A_66 = arith.constant 0 : i32
    %dma_wait3A_67 = tpu.memref_slice %arg5[%dma_wait3A, %dma_wait3A_66] : memref<4x128xi32, #tpu.memory_space<vmem>> -> memref<1x128xi32, #tpu.memory_space<vmem>>
    %dma_wait3A_68 = tpu.memref_squeeze %dma_wait3A_67 : memref<1x128xi32, #tpu.memory_space<vmem>> -> memref<128xi32, #tpu.memory_space<vmem>>
    %dma_wait3A_69 = arith.constant 0 : i32
    %dma_wait3A_70 = arith.constant 0 : i32
    %dma_wait3A_71 = tpu.memref_slice %arg2[%dma_wait3A_69, %dma_wait3A_70] : memref<352899x128xf32, #tpu.memory_space<hbm>> -> memref<352899x128xf32, #tpu.memory_space<hbm>>
    %dma_wait3A_72 = tpu.memref_slice %arg7[%dma_wait3A_62] : memref<4x!tpu.dma_semaphore, #tpu.memory_space<semaphore_mem>> -> memref<1x!tpu.dma_semaphore, #tpu.memory_space<semaphore_mem>>
    %dma_wait3A_73 = tpu.memref_squeeze %dma_wait3A_72 : memref<1x!tpu.dma_semaphore, #tpu.memory_space<semaphore_mem>> -> memref<!tpu.dma_semaphore, #tpu.memory_space<semaphore_mem>>
    tpu.wait_indirect_dma semaphore(%dma_wait3A_73 : memref<!tpu.dma_semaphore, #tpu.memory_space<semaphore_mem>>) src(%dma_wait3A_71 : memref<352899x128xf32, #tpu.memory_space<hbm>>) dst(%dma_wait3A_65 : memref<128x128xf32, #tpu.memory_space<vmem>>)
    %dma_start3A_74 = arith.constant 0 : i32
    %dma_start3A_75 = arith.constant 0 : i32
    %dma_start3A_76 = arith.constant 0 : i32
    %dma_start3A_77 = tpu.memref_slice %arg6[%dma_start3A_75, %dma_start3A_76] : memref<512x128xf32, #tpu.memory_space<vmem>> -> memref<128x128xf32, #tpu.memory_space<vmem>>
    %dma_start3A_78 = arith.constant 0 : i32
    %dma_start3A_79 = tpu.memref_slice %arg4[%add3A_4, %dma_start3A_78] : memref<16384x128xf32, #tpu.memory_space<hbm>> -> memref<128x128xf32, #tpu.memory_space<hbm>>
    %dma_start3A_80 = tpu.memref_slice %arg8[%dma_start3A_74] : memref<4x!tpu.dma_semaphore, #tpu.memory_space<semaphore_mem>> -> memref<1x!tpu.dma_semaphore, #tpu.memory_space<semaphore_mem>>
    %dma_start3A_81 = tpu.memref_squeeze %dma_start3A_80 : memref<1x!tpu.dma_semaphore, #tpu.memory_space<semaphore_mem>> -> memref<!tpu.dma_semaphore, #tpu.memory_space<semaphore_mem>>
    %dma_start3A_82 = arith.constant 0 : i32
    %dma_start3A_83 = tpu.memref_slice %arg4[%add3A_4, %dma_start3A_82] : memref<16384x128xf32, #tpu.memory_space<hbm>> -> memref<128x128xf32, #tpu.memory_space<hbm>>
    %dma_start3A_84 = arith.constant 0 : i32
    %dma_start3A_85 = arith.constant 0 : i32
    %dma_start3A_86 = tpu.memref_slice %arg6[%dma_start3A_84, %dma_start3A_85] : memref<512x128xf32, #tpu.memory_space<vmem>> -> memref<128x128xf32, #tpu.memory_space<vmem>>
    tpu.enqueue_dma source(%dma_start3A_86 : memref<128x128xf32, #tpu.memory_space<vmem>>) target(%dma_start3A_83 : memref<128x128xf32, #tpu.memory_space<hbm>>) target_semaphore(%dma_start3A_81 : memref<!tpu.dma_semaphore, #tpu.memory_space<semaphore_mem>>)
    %dma_wait3A_87 = arith.constant 1 : i32
    %dma_wait3A_88 = arith.constant 1 : i32
    %dma_wait3A_89 = arith.constant 128 : i32
    %dma_wait3A_90 = arith.constant 0 : i32
    %dma_wait3A_91 = tpu.memref_slice %arg6[%dma_wait3A_89, %dma_wait3A_90] : memref<512x128xf32, #tpu.memory_space<vmem>> -> memref<128x128xf32, #tpu.memory_space<vmem>>
    %dma_wait3A_92 = arith.constant 0 : i32
    %dma_wait3A_93 = tpu.memref_slice %arg5[%dma_wait3A_87, %dma_wait3A_92] : memref<4x128xi32, #tpu.memory_space<vmem>> -> memref<1x128xi32, #tpu.memory_space<vmem>>
    %dma_wait3A_94 = tpu.memref_squeeze %dma_wait3A_93 : memref<1x128xi32, #tpu.memory_space<vmem>> -> memref<128xi32, #tpu.memory_space<vmem>>
    %dma_wait3A_95 = arith.constant 0 : i32
    %dma_wait3A_96 = arith.constant 0 : i32
    %dma_wait3A_97 = tpu.memref_slice %arg2[%dma_wait3A_95, %dma_wait3A_96] : memref<352899x128xf32, #tpu.memory_space<hbm>> -> memref<352899x128xf32, #tpu.memory_space<hbm>>
    %dma_wait3A_98 = tpu.memref_slice %arg7[%dma_wait3A_88] : memref<4x!tpu.dma_semaphore, #tpu.memory_space<semaphore_mem>> -> memref<1x!tpu.dma_semaphore, #tpu.memory_space<semaphore_mem>>
    %dma_wait3A_99 = tpu.memref_squeeze %dma_wait3A_98 : memref<1x!tpu.dma_semaphore, #tpu.memory_space<semaphore_mem>> -> memref<!tpu.dma_semaphore, #tpu.memory_space<semaphore_mem>>
    tpu.wait_indirect_dma semaphore(%dma_wait3A_99 : memref<!tpu.dma_semaphore, #tpu.memory_space<semaphore_mem>>) src(%dma_wait3A_97 : memref<352899x128xf32, #tpu.memory_space<hbm>>) dst(%dma_wait3A_91 : memref<128x128xf32, #tpu.memory_space<vmem>>)
    %dma_start3A_100 = arith.constant 1 : i32
    %dma_start3A_101 = arith.constant 128 : i32
    %dma_start3A_102 = arith.constant 0 : i32
    %dma_start3A_103 = tpu.memref_slice %arg6[%dma_start3A_101, %dma_start3A_102] : memref<512x128xf32, #tpu.memory_space<vmem>> -> memref<128x128xf32, #tpu.memory_space<vmem>>
    %dma_start3A_104 = arith.constant 0 : i32
    %dma_start3A_105 = tpu.memref_slice %arg4[%add3A_6, %dma_start3A_104] : memref<16384x128xf32, #tpu.memory_space<hbm>> -> memref<128x128xf32, #tpu.memory_space<hbm>>
    %dma_start3A_106 = tpu.memref_slice %arg8[%dma_start3A_100] : memref<4x!tpu.dma_semaphore, #tpu.memory_space<semaphore_mem>> -> memref<1x!tpu.dma_semaphore, #tpu.memory_space<semaphore_mem>>
    %dma_start3A_107 = tpu.memref_squeeze %dma_start3A_106 : memref<1x!tpu.dma_semaphore, #tpu.memory_space<semaphore_mem>> -> memref<!tpu.dma_semaphore, #tpu.memory_space<semaphore_mem>>
    %dma_start3A_108 = arith.constant 0 : i32
    %dma_start3A_109 = tpu.memref_slice %arg4[%add3A_6, %dma_start3A_108] : memref<16384x128xf32, #tpu.memory_space<hbm>> -> memref<128x128xf32, #tpu.memory_space<hbm>>
    %dma_start3A_110 = arith.constant 128 : i32
    %dma_start3A_111 = arith.constant 0 : i32
    %dma_start3A_112 = tpu.memref_slice %arg6[%dma_start3A_110, %dma_start3A_111] : memref<512x128xf32, #tpu.memory_space<vmem>> -> memref<128x128xf32, #tpu.memory_space<vmem>>
    tpu.enqueue_dma source(%dma_start3A_112 : memref<128x128xf32, #tpu.memory_space<vmem>>) target(%dma_start3A_109 : memref<128x128xf32, #tpu.memory_space<hbm>>) target_semaphore(%dma_start3A_107 : memref<!tpu.dma_semaphore, #tpu.memory_space<semaphore_mem>>)
    %dma_wait3A_113 = arith.constant 2 : i32
    %dma_wait3A_114 = arith.constant 2 : i32
    %dma_wait3A_115 = arith.constant 256 : i32
    %dma_wait3A_116 = arith.constant 0 : i32
    %dma_wait3A_117 = tpu.memref_slice %arg6[%dma_wait3A_115, %dma_wait3A_116] : memref<512x128xf32, #tpu.memory_space<vmem>> -> memref<128x128xf32, #tpu.memory_space<vmem>>
    %dma_wait3A_118 = arith.constant 0 : i32
    %dma_wait3A_119 = tpu.memref_slice %arg5[%dma_wait3A_113, %dma_wait3A_118] : memref<4x128xi32, #tpu.memory_space<vmem>> -> memref<1x128xi32, #tpu.memory_space<vmem>>
    %dma_wait3A_120 = tpu.memref_squeeze %dma_wait3A_119 : memref<1x128xi32, #tpu.memory_space<vmem>> -> memref<128xi32, #tpu.memory_space<vmem>>
    %dma_wait3A_121 = arith.constant 0 : i32
    %dma_wait3A_122 = arith.constant 0 : i32
    %dma_wait3A_123 = tpu.memref_slice %arg2[%dma_wait3A_121, %dma_wait3A_122] : memref<352899x128xf32, #tpu.memory_space<hbm>> -> memref<352899x128xf32, #tpu.memory_space<hbm>>
    %dma_wait3A_124 = tpu.memref_slice %arg7[%dma_wait3A_114] : memref<4x!tpu.dma_semaphore, #tpu.memory_space<semaphore_mem>> -> memref<1x!tpu.dma_semaphore, #tpu.memory_space<semaphore_mem>>
    %dma_wait3A_125 = tpu.memref_squeeze %dma_wait3A_124 : memref<1x!tpu.dma_semaphore, #tpu.memory_space<semaphore_mem>> -> memref<!tpu.dma_semaphore, #tpu.memory_space<semaphore_mem>>
    tpu.wait_indirect_dma semaphore(%dma_wait3A_125 : memref<!tpu.dma_semaphore, #tpu.memory_space<semaphore_mem>>) src(%dma_wait3A_123 : memref<352899x128xf32, #tpu.memory_space<hbm>>) dst(%dma_wait3A_117 : memref<128x128xf32, #tpu.memory_space<vmem>>)
    %dma_start3A_126 = arith.constant 2 : i32
    %dma_start3A_127 = arith.constant 256 : i32
    %dma_start3A_128 = arith.constant 0 : i32
    %dma_start3A_129 = tpu.memref_slice %arg6[%dma_start3A_127, %dma_start3A_128] : memref<512x128xf32, #tpu.memory_space<vmem>> -> memref<128x128xf32, #tpu.memory_space<vmem>>
    %dma_start3A_130 = arith.constant 0 : i32
    %dma_start3A_131 = tpu.memref_slice %arg4[%add3A_8, %dma_start3A_130] : memref<16384x128xf32, #tpu.memory_space<hbm>> -> memref<128x128xf32, #tpu.memory_space<hbm>>
    %dma_start3A_132 = tpu.memref_slice %arg8[%dma_start3A_126] : memref<4x!tpu.dma_semaphore, #tpu.memory_space<semaphore_mem>> -> memref<1x!tpu.dma_semaphore, #tpu.memory_space<semaphore_mem>>
    %dma_start3A_133 = tpu.memref_squeeze %dma_start3A_132 : memref<1x!tpu.dma_semaphore, #tpu.memory_space<semaphore_mem>> -> memref<!tpu.dma_semaphore, #tpu.memory_space<semaphore_mem>>
    %dma_start3A_134 = arith.constant 0 : i32
    %dma_start3A_135 = tpu.memref_slice %arg4[%add3A_8, %dma_start3A_134] : memref<16384x128xf32, #tpu.memory_space<hbm>> -> memref<128x128xf32, #tpu.memory_space<hbm>>
    %dma_start3A_136 = arith.constant 256 : i32
    %dma_start3A_137 = arith.constant 0 : i32
    %dma_start3A_138 = tpu.memref_slice %arg6[%dma_start3A_136, %dma_start3A_137] : memref<512x128xf32, #tpu.memory_space<vmem>> -> memref<128x128xf32, #tpu.memory_space<vmem>>
    tpu.enqueue_dma source(%dma_start3A_138 : memref<128x128xf32, #tpu.memory_space<vmem>>) target(%dma_start3A_135 : memref<128x128xf32, #tpu.memory_space<hbm>>) target_semaphore(%dma_start3A_133 : memref<!tpu.dma_semaphore, #tpu.memory_space<semaphore_mem>>)
    %dma_wait3A_139 = arith.constant 3 : i32
    %dma_wait3A_140 = arith.constant 3 : i32
    %dma_wait3A_141 = arith.constant 384 : i32
    %dma_wait3A_142 = arith.constant 0 : i32
    %dma_wait3A_143 = tpu.memref_slice %arg6[%dma_wait3A_141, %dma_wait3A_142] : memref<512x128xf32, #tpu.memory_space<vmem>> -> memref<128x128xf32, #tpu.memory_space<vmem>>
    %dma_wait3A_144 = arith.constant 0 : i32
    %dma_wait3A_145 = tpu.memref_slice %arg5[%dma_wait3A_139, %dma_wait3A_144] : memref<4x128xi32, #tpu.memory_space<vmem>> -> memref<1x128xi32, #tpu.memory_space<vmem>>
    %dma_wait3A_146 = tpu.memref_squeeze %dma_wait3A_145 : memref<1x128xi32, #tpu.memory_space<vmem>> -> memref<128xi32, #tpu.memory_space<vmem>>
    %dma_wait3A_147 = arith.constant 0 : i32
    %dma_wait3A_148 = arith.constant 0 : i32
    %dma_wait3A_149 = tpu.memref_slice %arg2[%dma_wait3A_147, %dma_wait3A_148] : memref<352899x128xf32, #tpu.memory_space<hbm>> -> memref<352899x128xf32, #tpu.memory_space<hbm>>
    %dma_wait3A_150 = tpu.memref_slice %arg7[%dma_wait3A_140] : memref<4x!tpu.dma_semaphore, #tpu.memory_space<semaphore_mem>> -> memref<1x!tpu.dma_semaphore, #tpu.memory_space<semaphore_mem>>
    %dma_wait3A_151 = tpu.memref_squeeze %dma_wait3A_150 : memref<1x!tpu.dma_semaphore, #tpu.memory_space<semaphore_mem>> -> memref<!tpu.dma_semaphore, #tpu.memory_space<semaphore_mem>>
    tpu.wait_indirect_dma semaphore(%dma_wait3A_151 : memref<!tpu.dma_semaphore, #tpu.memory_space<semaphore_mem>>) src(%dma_wait3A_149 : memref<352899x128xf32, #tpu.memory_space<hbm>>) dst(%dma_wait3A_143 : memref<128x128xf32, #tpu.memory_space<vmem>>)
    %dma_start3A_152 = arith.constant 3 : i32
    %dma_start3A_153 = arith.constant 384 : i32
    %dma_start3A_154 = arith.constant 0 : i32
    %dma_start3A_155 = tpu.memref_slice %arg6[%dma_start3A_153, %dma_start3A_154] : memref<512x128xf32, #tpu.memory_space<vmem>> -> memref<128x128xf32, #tpu.memory_space<vmem>>
    %dma_start3A_156 = arith.constant 0 : i32
    %dma_start3A_157 = tpu.memref_slice %arg4[%add3A_10, %dma_start3A_156] : memref<16384x128xf32, #tpu.memory_space<hbm>> -> memref<128x128xf32, #tpu.memory_space<hbm>>
    %dma_start3A_158 = tpu.memref_slice %arg8[%dma_start3A_152] : memref<4x!tpu.dma_semaphore, #tpu.memory_space<semaphore_mem>> -> memref<1x!tpu.dma_semaphore, #tpu.memory_space<semaphore_mem>>
    %dma_start3A_159 = tpu.memref_squeeze %dma_start3A_158 : memref<1x!tpu.dma_semaphore, #tpu.memory_space<semaphore_mem>> -> memref<!tpu.dma_semaphore, #tpu.memory_space<semaphore_mem>>
    %dma_start3A_160 = arith.constant 0 : i32
    %dma_start3A_161 = tpu.memref_slice %arg4[%add3A_10, %dma_start3A_160] : memref<16384x128xf32, #tpu.memory_space<hbm>> -> memref<128x128xf32, #tpu.memory_space<hbm>>
    %dma_start3A_162 = arith.constant 384 : i32
    %dma_start3A_163 = arith.constant 0 : i32
    %dma_start3A_164 = tpu.memref_slice %arg6[%dma_start3A_162, %dma_start3A_163] : memref<512x128xf32, #tpu.memory_space<vmem>> -> memref<128x128xf32, #tpu.memory_space<vmem>>
    tpu.enqueue_dma source(%dma_start3A_164 : memref<128x128xf32, #tpu.memory_space<vmem>>) target(%dma_start3A_161 : memref<128x128xf32, #tpu.memory_space<hbm>>) target_semaphore(%dma_start3A_159 : memref<!tpu.dma_semaphore, #tpu.memory_space<semaphore_mem>>)
    %dma_wait3A_165 = arith.constant 0 : i32
    %dma_wait3A_166 = arith.constant 0 : i32
    %dma_wait3A_167 = arith.constant 0 : i32
    %dma_wait3A_168 = tpu.memref_slice %arg6[%dma_wait3A_166, %dma_wait3A_167] : memref<512x128xf32, #tpu.memory_space<vmem>> -> memref<128x128xf32, #tpu.memory_space<vmem>>
    %dma_wait3A_169 = arith.constant 0 : i32
    %dma_wait3A_170 = tpu.memref_slice %arg4[%add3A_4, %dma_wait3A_169] : memref<16384x128xf32, #tpu.memory_space<hbm>> -> memref<128x128xf32, #tpu.memory_space<hbm>>
    %dma_wait3A_171 = tpu.memref_slice %arg8[%dma_wait3A_165] : memref<4x!tpu.dma_semaphore, #tpu.memory_space<semaphore_mem>> -> memref<1x!tpu.dma_semaphore, #tpu.memory_space<semaphore_mem>>
    %dma_wait3A_172 = tpu.memref_squeeze %dma_wait3A_171 : memref<1x!tpu.dma_semaphore, #tpu.memory_space<semaphore_mem>> -> memref<!tpu.dma_semaphore, #tpu.memory_space<semaphore_mem>>
    %dma_wait3A_173 = arith.constant 0 : i32
    %dma_wait3A_174 = tpu.memref_slice %arg4[%add3A_4, %dma_wait3A_173] : memref<16384x128xf32, #tpu.memory_space<hbm>> -> memref<128x128xf32, #tpu.memory_space<hbm>>
    %dma_wait3A_175 = arith.constant 0 : i32
    %dma_wait3A_176 = arith.constant 0 : i32
    %dma_wait3A_177 = tpu.memref_slice %arg6[%dma_wait3A_175, %dma_wait3A_176] : memref<512x128xf32, #tpu.memory_space<vmem>> -> memref<128x128xf32, #tpu.memory_space<vmem>>
    tpu.wait_dma2 semaphore(%dma_wait3A_172 : memref<!tpu.dma_semaphore, #tpu.memory_space<semaphore_mem>>) src(%dma_wait3A_177 : memref<128x128xf32, #tpu.memory_space<vmem>>) dst(%dma_wait3A_174 : memref<128x128xf32, #tpu.memory_space<hbm>>)
    %dma_wait3A_178 = arith.constant 1 : i32
    %dma_wait3A_179 = arith.constant 128 : i32
    %dma_wait3A_180 = arith.constant 0 : i32
    %dma_wait3A_181 = tpu.memref_slice %arg6[%dma_wait3A_179, %dma_wait3A_180] : memref<512x128xf32, #tpu.memory_space<vmem>> -> memref<128x128xf32, #tpu.memory_space<vmem>>
    %dma_wait3A_182 = arith.constant 0 : i32
    %dma_wait3A_183 = tpu.memref_slice %arg4[%add3A_6, %dma_wait3A_182] : memref<16384x128xf32, #tpu.memory_space<hbm>> -> memref<128x128xf32, #tpu.memory_space<hbm>>
    %dma_wait3A_184 = tpu.memref_slice %arg8[%dma_wait3A_178] : memref<4x!tpu.dma_semaphore, #tpu.memory_space<semaphore_mem>> -> memref<1x!tpu.dma_semaphore, #tpu.memory_space<semaphore_mem>>
    %dma_wait3A_185 = tpu.memref_squeeze %dma_wait3A_184 : memref<1x!tpu.dma_semaphore, #tpu.memory_space<semaphore_mem>> -> memref<!tpu.dma_semaphore, #tpu.memory_space<semaphore_mem>>
    %dma_wait3A_186 = arith.constant 0 : i32
    %dma_wait3A_187 = tpu.memref_slice %arg4[%add3A_6, %dma_wait3A_186] : memref<16384x128xf32, #tpu.memory_space<hbm>> -> memref<128x128xf32, #tpu.memory_space<hbm>>
    %dma_wait3A_188 = arith.constant 128 : i32
    %dma_wait3A_189 = arith.constant 0 : i32
    %dma_wait3A_190 = tpu.memref_slice %arg6[%dma_wait3A_188, %dma_wait3A_189] : memref<512x128xf32, #tpu.memory_space<vmem>> -> memref<128x128xf32, #tpu.memory_space<vmem>>
    tpu.wait_dma2 semaphore(%dma_wait3A_185 : memref<!tpu.dma_semaphore, #tpu.memory_space<semaphore_mem>>) src(%dma_wait3A_190 : memref<128x128xf32, #tpu.memory_space<vmem>>) dst(%dma_wait3A_187 : memref<128x128xf32, #tpu.memory_space<hbm>>)
    %dma_wait3A_191 = arith.constant 2 : i32
    %dma_wait3A_192 = arith.constant 256 : i32
    %dma_wait3A_193 = arith.constant 0 : i32
    %dma_wait3A_194 = tpu.memref_slice %arg6[%dma_wait3A_192, %dma_wait3A_193] : memref<512x128xf32, #tpu.memory_space<vmem>> -> memref<128x128xf32, #tpu.memory_space<vmem>>
    %dma_wait3A_195 = arith.constant 0 : i32
    %dma_wait3A_196 = tpu.memref_slice %arg4[%add3A_8, %dma_wait3A_195] : memref<16384x128xf32, #tpu.memory_space<hbm>> -> memref<128x128xf32, #tpu.memory_space<hbm>>
    %dma_wait3A_197 = tpu.memref_slice %arg8[%dma_wait3A_191] : memref<4x!tpu.dma_semaphore, #tpu.memory_space<semaphore_mem>> -> memref<1x!tpu.dma_semaphore, #tpu.memory_space<semaphore_mem>>
    %dma_wait3A_198 = tpu.memref_squeeze %dma_wait3A_197 : memref<1x!tpu.dma_semaphore, #tpu.memory_space<semaphore_mem>> -> memref<!tpu.dma_semaphore, #tpu.memory_space<semaphore_mem>>
    %dma_wait3A_199 = arith.constant 0 : i32
    %dma_wait3A_200 = tpu.memref_slice %arg4[%add3A_8, %dma_wait3A_199] : memref<16384x128xf32, #tpu.memory_space<hbm>> -> memref<128x128xf32, #tpu.memory_space<hbm>>
    %dma_wait3A_201 = arith.constant 256 : i32
    %dma_wait3A_202 = arith.constant 0 : i32
    %dma_wait3A_203 = tpu.memref_slice %arg6[%dma_wait3A_201, %dma_wait3A_202] : memref<512x128xf32, #tpu.memory_space<vmem>> -> memref<128x128xf32, #tpu.memory_space<vmem>>
    tpu.wait_dma2 semaphore(%dma_wait3A_198 : memref<!tpu.dma_semaphore, #tpu.memory_space<semaphore_mem>>) src(%dma_wait3A_203 : memref<128x128xf32, #tpu.memory_space<vmem>>) dst(%dma_wait3A_200 : memref<128x128xf32, #tpu.memory_space<hbm>>)
    %dma_wait3A_204 = arith.constant 3 : i32
    %dma_wait3A_205 = arith.constant 384 : i32
    %dma_wait3A_206 = arith.constant 0 : i32
    %dma_wait3A_207 = tpu.memref_slice %arg6[%dma_wait3A_205, %dma_wait3A_206] : memref<512x128xf32, #tpu.memory_space<vmem>> -> memref<128x128xf32, #tpu.memory_space<vmem>>
    %dma_wait3A_208 = arith.constant 0 : i32
    %dma_wait3A_209 = tpu.memref_slice %arg4[%add3A_10, %dma_wait3A_208] : memref<16384x128xf32, #tpu.memory_space<hbm>> -> memref<128x128xf32, #tpu.memory_space<hbm>>
    %dma_wait3A_210 = tpu.memref_slice %arg8[%dma_wait3A_204] : memref<4x!tpu.dma_semaphore, #tpu.memory_space<semaphore_mem>> -> memref<1x!tpu.dma_semaphore, #tpu.memory_space<semaphore_mem>>
    %dma_wait3A_211 = tpu.memref_squeeze %dma_wait3A_210 : memref<1x!tpu.dma_semaphore, #tpu.memory_space<semaphore_mem>> -> memref<!tpu.dma_semaphore, #tpu.memory_space<semaphore_mem>>
    %dma_wait3A_212 = arith.constant 0 : i32
    %dma_wait3A_213 = tpu.memref_slice %arg4[%add3A_10, %dma_wait3A_212] : memref<16384x128xf32, #tpu.memory_space<hbm>> -> memref<128x128xf32, #tpu.memory_space<hbm>>
    %dma_wait3A_214 = arith.constant 384 : i32
    %dma_wait3A_215 = arith.constant 0 : i32
    %dma_wait3A_216 = tpu.memref_slice %arg6[%dma_wait3A_214, %dma_wait3A_215] : memref<512x128xf32, #tpu.memory_space<vmem>> -> memref<128x128xf32, #tpu.memory_space<vmem>>
    tpu.wait_dma2 semaphore(%dma_wait3A_211 : memref<!tpu.dma_semaphore, #tpu.memory_space<semaphore_mem>>) src(%dma_wait3A_216 : memref<128x128xf32, #tpu.memory_space<vmem>>) dst(%dma_wait3A_213 : memref<128x128xf32, #tpu.memory_space<hbm>>)
    return
  }
}

module attributes {stable_mosaic.version = 14 : i64} {
  func.func @_tc_body(%arg0: i32, %arg1: memref<5x4096xf32, #tpu.memory_space<vmem>>, %arg2: memref<4096x128xf32, #tpu.memory_space<vmem>>, %arg3: memref<3x64xf32, #tpu.memory_space<vmem>>, %arg4: memref<1x64xf32, #tpu.memory_space<vmem>>, %arg5: memref<4x32xf32, #tpu.memory_space<vmem>>, %arg6: memref<5x32xf32, #tpu.memory_space<vmem>>, %arg7: memref<256x64xf32, #tpu.memory_space<vmem>>, %arg8: memref<1x64xf32, #tpu.memory_space<vmem>>, %arg9: memref<4096x64xf32, #tpu.memory_space<vmem>>) attributes {dimension_semantics = [#tpu.dimension_semantics<arbitrary>], iteration_bounds = array<i64: 4>, scalar_prefetch = 0 : i64, scratch_operands = 0 : i64, tpu.core_type = #tpu.core_type<tc>, window_params = [{transform_indices = @transform_0, window_bounds = array<i64: 5, 4096>}, {transform_indices = @transform_1, window_bounds = array<i64: 4096, 128>}, {pipeline_mode = #tpu.pipeline_mode<synchronous>, transform_indices = @transform_2, window_bounds = array<i64: 3, 64>}, {pipeline_mode = #tpu.pipeline_mode<synchronous>, transform_indices = @transform_3, window_bounds = array<i64: 1, 64>}, {pipeline_mode = #tpu.pipeline_mode<synchronous>, transform_indices = @transform_4, window_bounds = array<i64: 4, 32>}, {pipeline_mode = #tpu.pipeline_mode<synchronous>, transform_indices = @transform_5, window_bounds = array<i64: 5, 32>}, {pipeline_mode = #tpu.pipeline_mode<synchronous>, transform_indices = @transform_6, window_bounds = array<i64: 256, 64>}, {pipeline_mode = #tpu.pipeline_mode<synchronous>, transform_indices = @transform_7, window_bounds = array<i64: 1, 64>}, {transform_indices = @transform_8, window_bounds = array<i64: 4096, 64>}]} {
    %get3A = arith.constant 0 : index
    %get3A_0 = arith.constant 0 : index
    %get3A_1 = vector.load %arg1[%get3A, %get3A_0] : memref<5x4096xf32, #tpu.memory_space<vmem>>, vector<5x4096xf32>
    %transpose3A = tpu.transpose %get3A_1, [1, 0] : vector<5x4096xf32> -> vector<4096x5xf32>
    %slice3A = vector.extract_strided_slice %transpose3A {offsets = [0, 0], sizes = [4096, 3], strides = [1, 1]} : vector<4096x5xf32> to vector<4096x3xf32>
    %get3A_2 = arith.constant 0 : index
    %get3A_3 = arith.constant 0 : index
    %get3A_4 = vector.load %arg3[%get3A_2, %get3A_3] : memref<3x64xf32, #tpu.memory_space<vmem>>, vector<3x64xf32>
    %dot_general3A = arith.constant dense<0.000000e+00> : vector<4096x64xf32>
    %dot_general3A_5 = tpu.matmul %slice3A, %get3A_4, %dot_general3A {dimension_numbers = #tpu.dot_dimension_numbers<[1], [0], [0], [1], [0, 0, 1, 1], [], []>, transpose_lhs_hint = false} : vector<4096x3xf32>, vector<3x64xf32>, vector<4096x64xf32> -> vector<4096x64xf32>
    %get3A_6 = arith.constant 0 : index
    %get3A_7 = arith.constant 0 : index
    %get3A_8 = vector.load %arg4[%get3A_6, %get3A_7] : memref<1x64xf32, #tpu.memory_space<vmem>>, vector<1x64xf32>
    %add3A = vector.broadcast %get3A_8 : vector<1x64xf32> to vector<4096x64xf32>
    %add3A_9 = arith.addf %dot_general3A_5, %add3A : vector<4096x64xf32>
    %ge3A = arith.constant 0.000000e+00 : f32
    %ge3A_10 = vector.broadcast %ge3A : f32 to vector<4096x64xf32>
    %ge3A_11 = arith.cmpf oge, %add3A_9, %ge3A_10 : vector<4096x64xf32>
    %mul3A = arith.constant 0.00999999977 : f32
    %mul3A_12 = vector.broadcast %mul3A : f32 to vector<4096x64xf32>
    %mul3A_13 = arith.mulf %mul3A_12, %add3A_9 : vector<4096x64xf32>
    %select_n3A = arith.select %ge3A_11, %add3A_9, %mul3A_13 : vector<4096x64xi1>, vector<4096x64xf32>
    %get3A_14 = arith.constant 0 : index
    %get3A_15 = arith.constant 0 : index
    %get3A_16 = vector.load %arg7[%get3A_14, %get3A_15] : memref<256x64xf32, #tpu.memory_space<vmem>>, vector<256x64xf32>
    %slice3A_17 = vector.extract_strided_slice %get3A_16 {offsets = [0, 0], sizes = [64, 64], strides = [1, 1]} : vector<256x64xf32> to vector<64x64xf32>
    %dot_general3A_18 = arith.constant dense<0.000000e+00> : vector<4096x64xf32>
    %dot_general3A_19 = tpu.matmul %select_n3A, %slice3A_17, %dot_general3A_18 {dimension_numbers = #tpu.dot_dimension_numbers<[1], [0], [0], [1], [0, 0, 1, 1], [], []>, transpose_lhs_hint = false} : vector<4096x64xf32>, vector<64x64xf32>, vector<4096x64xf32> -> vector<4096x64xf32>
    %get3A_20 = arith.constant 0 : index
    %get3A_21 = arith.constant 0 : index
    %get3A_22 = vector.load %arg5[%get3A_20, %get3A_21] : memref<4x32xf32, #tpu.memory_space<vmem>>, vector<4x32xf32>
    %slice3A_23 = vector.extract_strided_slice %get3A_16 {offsets = [64, 0], sizes = [32, 64], strides = [1, 1]} : vector<256x64xf32> to vector<32x64xf32>
    %dot_general3A_24 = arith.constant dense<0.000000e+00> : vector<4x64xf32>
    %dot_general3A_25 = tpu.matmul %get3A_22, %slice3A_23, %dot_general3A_24 {dimension_numbers = #tpu.dot_dimension_numbers<[1], [0], [0], [1], [0, 0, 1, 1], [], []>, transpose_lhs_hint = false} : vector<4x32xf32>, vector<32x64xf32>, vector<4x64xf32> -> vector<4x64xf32>
    %iota3A = tpu.iota {dimensions = array<i32: 1>} : vector<4096x4xi32>
    %slice3A_26 = vector.extract_strided_slice %transpose3A {offsets = [0, 3], sizes = [4096, 1], strides = [1, 1]} : vector<4096x5xf32> to vector<4096x1xf32>
    %convert_element_type3A = arith.fptosi %slice3A_26 : vector<4096x1xf32> to vector<4096x1xi32>
    %eq3A = vector.broadcast %convert_element_type3A : vector<4096x1xi32> to vector<4096x4xi32>
    %eq3A_27 = arith.cmpi eq, %eq3A, %iota3A : vector<4096x4xi32>
    %convert_element_type3A_28 = arith.extui %eq3A_27 : vector<4096x4xi1> to vector<4096x4xi32>
    %convert_element_type3A_29 = arith.sitofp %convert_element_type3A_28 : vector<4096x4xi32> to vector<4096x4xf32>
    %dot_general3A_30 = arith.constant dense<0.000000e+00> : vector<4096x64xf32>
    %dot_general3A_31 = tpu.matmul %convert_element_type3A_29, %dot_general3A_25, %dot_general3A_30 {dimension_numbers = #tpu.dot_dimension_numbers<[1], [0], [0], [1], [0, 0, 1, 1], [], []>, transpose_lhs_hint = false} : vector<4096x4xf32>, vector<4x64xf32>, vector<4096x64xf32> -> vector<4096x64xf32>
    %add3A_32 = arith.addf %dot_general3A_19, %dot_general3A_31 : vector<4096x64xf32>
    %get3A_33 = arith.constant 0 : index
    %get3A_34 = arith.constant 0 : index
    %get3A_35 = vector.load %arg6[%get3A_33, %get3A_34] : memref<5x32xf32, #tpu.memory_space<vmem>>, vector<5x32xf32>
    %slice3A_36 = vector.extract_strided_slice %get3A_16 {offsets = [96, 0], sizes = [32, 64], strides = [1, 1]} : vector<256x64xf32> to vector<32x64xf32>
    %dot_general3A_37 = arith.constant dense<0.000000e+00> : vector<5x64xf32>
    %dot_general3A_38 = tpu.matmul %get3A_35, %slice3A_36, %dot_general3A_37 {dimension_numbers = #tpu.dot_dimension_numbers<[1], [0], [0], [1], [0, 0, 1, 1], [], []>, transpose_lhs_hint = false} : vector<5x32xf32>, vector<32x64xf32>, vector<5x64xf32> -> vector<5x64xf32>
    %iota3A_39 = tpu.iota {dimensions = array<i32: 1>} : vector<4096x5xi32>
    %slice3A_40 = vector.extract_strided_slice %transpose3A {offsets = [0, 4], sizes = [4096, 1], strides = [1, 1]} : vector<4096x5xf32> to vector<4096x1xf32>
    %convert_element_type3A_41 = arith.fptosi %slice3A_40 : vector<4096x1xf32> to vector<4096x1xi32>
    %eq3A_42 = vector.broadcast %convert_element_type3A_41 : vector<4096x1xi32> to vector<4096x5xi32>
    %eq3A_43 = arith.cmpi eq, %eq3A_42, %iota3A_39 : vector<4096x5xi32>
    %convert_element_type3A_44 = arith.extui %eq3A_43 : vector<4096x5xi1> to vector<4096x5xi32>
    %convert_element_type3A_45 = arith.sitofp %convert_element_type3A_44 : vector<4096x5xi32> to vector<4096x5xf32>
    %dot_general3A_46 = arith.constant dense<0.000000e+00> : vector<4096x64xf32>
    %dot_general3A_47 = tpu.matmul %convert_element_type3A_45, %dot_general3A_38, %dot_general3A_46 {dimension_numbers = #tpu.dot_dimension_numbers<[1], [0], [0], [1], [0, 0, 1, 1], [], []>, transpose_lhs_hint = false} : vector<4096x5xf32>, vector<5x64xf32>, vector<4096x64xf32> -> vector<4096x64xf32>
    %add3A_48 = arith.addf %add3A_32, %dot_general3A_47 : vector<4096x64xf32>
    %get3A_49 = arith.constant 0 : index
    %get3A_50 = arith.constant 0 : index
    %get3A_51 = vector.load %arg2[%get3A_49, %get3A_50] : memref<4096x128xf32, #tpu.memory_space<vmem>>, vector<4096x128xf32>
    %slice3A_52 = vector.extract_strided_slice %get3A_16 {offsets = [128, 0], sizes = [128, 64], strides = [1, 1]} : vector<256x64xf32> to vector<128x64xf32>
    %dot_general3A_53 = arith.constant dense<0.000000e+00> : vector<4096x64xf32>
    %dot_general3A_54 = tpu.matmul %get3A_51, %slice3A_52, %dot_general3A_53 {dimension_numbers = #tpu.dot_dimension_numbers<[1], [0], [0], [1], [0, 0, 1, 1], [], []>, transpose_lhs_hint = false} : vector<4096x128xf32>, vector<128x64xf32>, vector<4096x64xf32> -> vector<4096x64xf32>
    %add3A_55 = arith.addf %add3A_48, %dot_general3A_54 : vector<4096x64xf32>
    %get3A_56 = arith.constant 0 : index
    %get3A_57 = arith.constant 0 : index
    %get3A_58 = vector.load %arg8[%get3A_56, %get3A_57] : memref<1x64xf32, #tpu.memory_space<vmem>>, vector<1x64xf32>
    %add3A_59 = vector.broadcast %get3A_58 : vector<1x64xf32> to vector<4096x64xf32>
    %add3A_60 = arith.addf %add3A_55, %add3A_59 : vector<4096x64xf32>
    %max3A = arith.constant 0.000000e+00 : f32
    %max3A_61 = vector.broadcast %max3A : f32 to vector<4096x64xf32>
    %max3A_62 = arith.maximumf %add3A_60, %max3A_61 : vector<4096x64xf32>
    %swap3A = arith.constant 0 : index
    %swap3A_63 = arith.constant 0 : index
    %swap3A_64 = vector.load %arg9[%swap3A, %swap3A_63] : memref<4096x64xf32, #tpu.memory_space<vmem>>, vector<4096x64xf32>
    tpu.vector_store %arg9[%swap3A, %swap3A_63], %max3A_62 {strides = array<i32>} : memref<4096x64xf32, #tpu.memory_space<vmem>>, vector<4096x64xf32>,
    return
  }
  func.func @transform_0(%arg0: i32) -> (i32, i32) {
    %c0_i32 = arith.constant 0 : i32
    %c0_i32_0 = arith.constant 0 : i32
    return %c0_i32, %arg0 : i32, i32
  }
  func.func @transform_1(%arg0: i32) -> (i32, i32) {
    %c0_i32 = arith.constant 0 : i32
    %c0_i32_0 = arith.constant 0 : i32
    return %arg0, %c0_i32 : i32, i32
  }
  func.func @transform_2(%arg0: i32) -> (i32, i32) {
    %c0_i32 = arith.constant 0 : i32
    %c0_i32_0 = arith.constant 0 : i32
    %c0_i32_1 = arith.constant 0 : i32
    return %c0_i32, %c0_i32_0 : i32, i32
  }
  func.func @transform_3(%arg0: i32) -> (i32, i32) {
    %c0_i32 = arith.constant 0 : i32
    %c0_i32_0 = arith.constant 0 : i32
    %c0_i32_1 = arith.constant 0 : i32
    return %c0_i32, %c0_i32_0 : i32, i32
  }
  func.func @transform_4(%arg0: i32) -> (i32, i32) {
    %c0_i32 = arith.constant 0 : i32
    %c0_i32_0 = arith.constant 0 : i32
    %c0_i32_1 = arith.constant 0 : i32
    return %c0_i32, %c0_i32_0 : i32, i32
  }
  func.func @transform_5(%arg0: i32) -> (i32, i32) {
    %c0_i32 = arith.constant 0 : i32
    %c0_i32_0 = arith.constant 0 : i32
    %c0_i32_1 = arith.constant 0 : i32
    return %c0_i32, %c0_i32_0 : i32, i32
  }
  func.func @transform_6(%arg0: i32) -> (i32, i32) {
    %c0_i32 = arith.constant 0 : i32
    %c0_i32_0 = arith.constant 0 : i32
    %c0_i32_1 = arith.constant 0 : i32
    return %c0_i32, %c0_i32_0 : i32, i32
  }
  func.func @transform_7(%arg0: i32) -> (i32, i32) {
    %c0_i32 = arith.constant 0 : i32
    %c0_i32_0 = arith.constant 0 : i32
    %c0_i32_1 = arith.constant 0 : i32
    return %c0_i32, %c0_i32_0 : i32, i32
  }
  func.func @transform_8(%arg0: i32) -> (i32, i32) {
    %c0_i32 = arith.constant 0 : i32
    %c0_i32_0 = arith.constant 0 : i32
    return %arg0, %c0_i32 : i32, i32
  }
}

</mosaic_0001>

<sc_bundles>
// kernel: kernel.4.cloned.1.call-start
scs
__scs_entry_jumppad:
0x0: {  	(pc) =	sbr.rel $0x88, $3  }
0x1: {  	(tag) =	ssettag $0x0;
	lr =	simm.s32 $0x1  }
0x2: {  	[smem:$0x3F94] =	sst lr;
	_ =	strace $0xD0000000  }
0x3: {  	_ = 	snop  }
0x4: {  	_ = 	snop  }
0x5: {  	_ = 	snop  }
0x6: {  	_ = 	snop  }
0x7: {  	_ = 	snop  }
__scs_overlays_trampoline_lowered:
0x8: {  	[smem:$0x3FA3] =	sst s0  }
0x9: {  	[smem:$0x3FA4] =	sst s1  }
0xa: {  	[smem:$0x3FA5] =	sst s2  }
0xb: {  	[smem:$0x3FA6] =	sst s3  }
0xc: {  	[smem:$0x3FA7] =	sst s4  }
0xd: {  	[smem:$0x3FA8] =	sst s5  }
0xe: {  	[smem:$0x3FA9] =	sst s6  }
0xf: {  	[smem:$0x3FAA] =	sst s7  }
0x10: {  	[smem:$0x3FAB] =	sst s8  }
0x11: {  	[smem:$0x3FAC] =	sst s9;
	s0 =	simm.s32 @!p0 $0x0  }
0x12: {  	s1 =	sld [smem:$0x3F92];
	s0 =	simm.s32 @p0 $0x1  }
0x13: {  	[smem:$0x3FAD] =	sst s0;
	s0 =	simm.s32 @!p1 $0x0  }
0x14: {  	s2 =	sld [smem:$0x3F91];
	s0 =	simm.s32 @p1 $0x1  }
0x15: {  	[smem:$0x3FAE] =	sst s0;
	s0 =	simm.s32 @!p2 $0x0  }
0x16: {  	s3 =	sld [smem:$0x3FDB];
	s0 =	simm.s32 @p2 $0x1  }
0x17: {  	s4 =	simm.s32 $0x1BF5;
	[smem:$0x3FB0] =	sst s0  }
0x18: {  	s0 =	sld [smem:$0x3F93];
	_ =	swait.ge [sflag:s4], $0x0  }
0x19: {  	s7 =	sld [smem:$0x3F94]  }
0x1a: {  	s8 =	sadd.s32 $0xFFFFE003, lr  }
0x1b: {  	s9 =	sadd.s32 $0xFFFFFEF7, lr;
	s5 =	simm.s32 $0xFFFFFFFF;
	p2 =	slt.u32 s8, $0xFFFFF086  }
0x1c: {  	p1 =	slt.u32 s9, $0xF7A;
	s5 =	simm.s32 @!p2 $0x0  }
0x1d: {  	s5 =	simm.s32 @p1 $0x1;
	p0 =	seq.s32 s7, s2  }
0x1e: {  	s7 =	smul.u32 @!p0 $0xF7A, s2;
	p2 =	seq.s32 @!p0 s5, $0x0  }
0x1f: {  	s9 =	smul.u32 $0xF7A, s1;
	s8 =	simm.s32 @!p0 $0x1BF5;
	p2 =	por !p2, p0  }
0x20: {  	[sflag:s8] =	ssyncset.s32 @!p0 $0xFFFFF086;
	s6 =	sadd.s32 @!p0 s3, s7;
	s7 =	simm.s32 @!p0 $0x108  }
0x21: {  	s3 =	sadd.s32 s3, s9;
	s6 =	sadd.s32 @!p0 $0x88, s6;
	s7 =	simm.s32 @p2 $0x1082  }
0x22: {  	[simem:s7], [sflag:s8] =	dma.local @!p0 [hbm:s6], $0xF7A  }
0x23: {  	s9 =	sor.u32 $0xD0000000, s2;
	s6 =	simm.s32 $0x108;
	_ =	swait.ge @!p0 [sflag:s8], $0x0  }
0x24: {  	s3 =	sadd.s32 $0x88, s3;
	s6 =	simm.s32 @!p1 $0x1082;
	[sflag:s4] =	ssyncset.s32 $0xFFFFF086  }
0x25: {  	[simem:s6], [sflag:s4] =	dma.local [hbm:s3], $0xF7A  }
0x26: {  	[smem:$0x3F94] =	sst s1;
	(tag) =	ssettag s2;
	_ =	strace s9  }
0x27: {  	s1 =	sld [smem:$0x3FA4]  }
0x28: {  	s2 =	sld [smem:$0x3FA5]  }
0x29: {  	s4 =	sld [smem:$0x3FA7]  }
0x2a: {  	p0 =	seq.s32 s5, $0x0;
	s5 =	sld [smem:$0x3FA8]  }
0x2b: {  	s6 =	sld [smem:$0x3FA9]  }
0x2c: {  	s7 =	sld [smem:$0x3FAA]  }
0x2d: {  	s3 =	simm.s32 $0x108;
	s8 =	sld [smem:$0x3FAB]  }
0x2e: {  	s3 =	simm.s32 @!p0 $0x1082;
	s9 =	sld [smem:$0x3FAC]  }
0x2f: {  	lr =	sadd.s32 s0, s3;
	s0 =	sld [smem:$0x3FA3]  }
0x30: {  	s3 =	sld [smem:$0x3FA6]  }
0x31: {  	[smem:$0x3FAF] =	sst s10  }
0x32: {  	s10 =	sld [smem:$0x3FAD];
	_ =	sdelay $0x3  }
0x33: {  	p0 =	seq.s32 s10, $0x1;
	s10 =	sld [smem:$0x3FAF];
	_ =	sdelay $0x3  }
0x34: {  	[smem:$0x3FAF] =	sst s10  }
0x35: {  	s10 =	sld [smem:$0x3FAE];
	_ =	sdelay $0x3  }
0x36: {  	p1 =	seq.s32 s10, $0x1;
	s10 =	sld [smem:$0x3FAF];
	_ =	sdelay $0x3  }
0x37: {  	[smem:$0x3FAF] =	sst s10  }
0x38: {  	s10 =	sld [smem:$0x3FB0]  }
0x39: {  	_ = 	snop;
	(pc) =	sbr.ind lr, $3  }
0x3a: {  	_ = 	snop  }
0x3b: {  	_ = 	snop  }
0x3c: {  	p2 =	seq.s32 s10, $0x1;
	s10 =	sld [smem:$0x3FAF]  }
0x3d: {  	_ =	shalt  }
0x3e: {  	_ =	shalt  }
0x3f: {  	_ =	shalt  }
0x40: {  	_ =	shalt  }
0x41: {  	_ =	shalt  }
0x42: {  	_ =	shalt  }
0x43: {  	_ =	shalt  }
0x44: {  	_ =	shalt  }
0x45: {  	_ =	shalt  }
0x46: {  	_ =	shalt  }
0x47: {  	_ =	shalt  }
0x48: {  	_ =	shalt  }
0x49: {  	_ =	shalt  }
0x4a: {  	_ =	shalt  }
0x4b: {  	_ =	shalt  }
0x4c: {  	_ =	shalt  }
0x4d: {  	_ =	shalt  }
0x4e: {  	_ =	shalt  }
0x4f: {  	_ =	shalt  }
0x50: {  	_ =	shalt  }
0x51: {  	_ =	shalt  }
0x52: {  	_ =	shalt  }
0x53: {  	_ =	shalt  }
0x54: {  	_ =	shalt  }
0x55: {  	_ =	shalt  }
0x56: {  	_ =	shalt  }
0x57: {  	_ =	shalt  }
0x58: {  	_ =	shalt  }
0x59: {  	_ =	shalt  }
0x5a: {  	_ =	shalt  }
0x5b: {  	_ =	shalt  }
0x5c: {  	_ =	shalt  }
0x5d: {  	_ =	shalt  }
0x5e: {  	_ =	shalt  }
0x5f: {  	_ =	shalt  }
0x60: {  	_ =	shalt  }
0x61: {  	_ =	shalt  }
0x62: {  	_ =	shalt  }
0x63: {  	_ =	shalt  }
0x64: {  	_ =	shalt  }
0x65: {  	_ =	shalt  }
0x66: {  	_ =	shalt  }
0x67: {  	_ =	shalt  }
0x68: {  	_ =	shalt  }
0x69: {  	_ =	shalt  }
0x6a: {  	_ =	shalt  }
0x6b: {  	_ =	shalt  }
0x6c: {  	_ =	shalt  }
0x6d: {  	_ =	shalt  }
0x6e: {  	_ =	shalt  }
0x6f: {  	_ =	shalt  }
0x70: {  	_ =	shalt  }
0x71: {  	_ =	shalt  }
0x72: {  	_ =	shalt  }
0x73: {  	_ =	shalt  }
0x74: {  	_ =	shalt  }
0x75: {  	_ =	shalt  }
0x76: {  	_ =	shalt  }
0x77: {  	_ =	shalt  }
0x78: {  	_ =	shalt  }
0x79: {  	_ =	shalt  }
0x7a: {  	_ =	shalt  }
0x7b: {  	_ =	shalt  }
0x7c: {  	_ =	shalt  }
0x7d: {  	_ =	shalt  }
0x7e: {  	_ =	shalt  }
0x7f: {  	_ =	shalt  }
0x80: {  	_ =	shalt  }
0x81: {  	_ =	shalt  }
0x82: {  	_ =	shalt  }
0x83: {  	_ =	shalt  }
0x84: {  	_ =	shalt  }
0x85: {  	_ =	shalt  }
0x86: {  	_ =	shalt  }
0x87: {  	_ =	shalt  }
.Lfunc_end0:
.L_simem_size_0:
called_computation_lowered:
.L_overlay_start_0:
0x88: {  	s2 =	sld [smem:$0x3FD9]  }
0x89: {  	s3 =	sld [smem:$0x3FFE];
	_ =	sdelay $0x1  }
0x8a: {  	s1 =	srdreg.scid  }
0x8b: {  	s0 =	sand.u32 $0x1, s1  }
0x8c: {  	s17 =	sshll.u32 s0, $0xA;
	s2 =	sadd.s32 s3, s2  }
0x8d: {  	s2 =	sadd.s32 s2, s17  }
0x8e: {  	[smem:$0x3FBB] =	sst s2  }
0x8f: {  	_ = 	snop  }
0x90: {  	s2 =	sld [smem:$0x3FC4]  }
0x91: {  	s18 =	sld [smem:$0x3FBF];
	(tm) =	ssettm $0x1  }
0x92: {  	s4 =	sld [smem:$0x3FFB];
	_ =	sdelay $0x3  }
0x93: {  	_ =	strace s4  }
0x94: {  	s4 =	sld [smem:$0x3FFC];
	_ =	sdelay $0x3  }
0x95: {  	_ =	strace s4  }
0x96: {  	s4 =	sld [smem:$0x3FFD];
	_ =	sdelay $0x3  }
0x97: {  	_ =	strace s4  }
0x98: {  	_ =	strace $0x8FFFFFFF  }
0x99: {  	s19 =	sld [smem:$0x3FDB];
	_ =	sdelay $0x1  }
0x9a: {  	s5 =	simm.s32 $_scs_section_size  }
0x9b: {  	s6 =	simm.s32 $_size__tile_overlayer_lowered;
	s7 =	simm.s32 $_tile_overlayer_lowered  }
0x9c: {  	s22 =	simm.s32 $0x1BFF;
	s21 =	sshll.u32 s7, $0x1;
	s4 =	sadd.s32 s5, s19  }
0x9d: {  	s8 =	simm.s32 $0x0;
	s20 =	sshll.u32 s6, $0x1;
	s6 =	sadd.s32 s21, s4  }
0x9e: {  	[timem:s8], [sflag:s22] =	dma.local [hbm:s6], s20  }
0x9f: {  	_ =	swait.ge [sflag:s22], s20  }
0xa0: {  	s5 =	ssub.s32 $0x0, s20;
	[sflag:s22] =	ssyncset.done $0x0  }
0xa1: {  	[sflag:s22] =	ssyncadd.s32 s5;
	_ =	sdelay $0x1  }
0xa2: {  	s23 =	simm.s32 $0x1B8B  }
0xa3: {  	_ =	swait.ge [sflag:s23], $0x1  }
0xa4: {  	[sflag:s23] =	ssyncset.done $0x0  }
0xa5: {  	s25 =	simm.s32 $0x1B8E;
	s24 =	sld [smem:$0x3FFE];
	[sflag:s23] =	ssyncadd.s32 $0xFFFFFFFF  }
0xa6: {  	s26 =	simm.s32 $execute0_lowered;
	[smem:$0x3FD2] =	sst s25  }
0xa7: {  	s6 =	sshll.u32 s26, $0x1;
	_ =	strace $0x80000046;
	[dreg:$0x1] =	wrdreg $0xFFFFFFFF  }
0xa8: {  	s28 =	simm.s32 $_size_execute0_lowered;
	s4 =	sadd.s32 s4, s6;
	[dreg:$0x0] =	wrdreg $0x0  }
0xa9: {  	s6 =	sshll.u32 s28, $0x1;
	[dreg:$0x2] =	wrdreg s4  }
0xaa: {  	[dreg:$0x3] =	wrdreg s6  }
0xab: {  	[dreg:$0x4] =	wrdreg $0xC0  }
0xac: {  	_ =	task [dreg:s8], $0x5FFFF  }
0xad: {  	[dreg:$0x1] =	wrdreg $0xFFFFFFFF  }
0xae: {  	[dreg:$0x0] =	wrdreg $0x60  }
0xaf: {  	[dreg:$0x2] =	wrdreg s18  }
0xb0: {  	[dreg:$0x3] =	wrdreg s2  }
0xb1: {  	[dreg:$0x4] =	wrdreg s24  }
0xb2: {  	[dreg:$0x5] =	wrdreg $0x9  }
0xb3: {  	_ =	task.clear_ibuf [dreg:s8], $0x6FFFF;
	_ =	strace $0x90000046  }
0xb4: {  	s29 =	simm.s32 $0x9;
	_ =	strace $0x80000048  }
0xb5: {  	_ =	swait.ge [sflag:s29], $0x1  }
0xb6: {  	[sflag:s29] =	ssyncadd.s32 $0xFFFFFFFF  }
0xb7: {  	_ =	strace $0x90000048  }
0xb8: {  	_ =	sfence  }
0xb9: {  	s30 =	sld [smem:$0x0];
	_ =	sdelay $0x2  }
0xba: {  	s31 =	sshll.u32 s1, $0xD;
	s1 =	sshrl.u32 s1, $0x2  }
0xbb: {  	s3 =	sand.u32 $0x4000, s31;
	s1 =	sadd.s32 s1, s30  }
0xbc: {  	s0 =	sor.u32 s3, s0;
	s1 =	sshll.u32 s1, $0x11  }
0xbd: {  	s0 =	sor.u32 s1, s0  }
0xbe: {  	s0 =	sadd.s32 $0x8F2B, s0  }
0xbf: {  	[sflag:s0] =	ssyncadd.remote.s32 $0x1  }
0xc0: {  	_ =	sfence.sel $0xFFFF  }
0xc1: {  	[dreg:$0x0] =	wrdreg $0xFFFFFFFF;
	(pc) =	sbr.abs _section_cstart, $3  }
0xc2: {  	[dreg:$0x1] =	wrdreg $0xFFFFFFFF  }
0xc3: {  	_ =	task.clear_ibuf [dreg:s8], $0x2FFFF;
	_ =	strace $0x9FFFFFFF  }
0xc4: {  	(tm) =	ssettm $0x7FFFFFFF  }
0xc5: {  	_ =	shalt  }
tec
execute0_lowered:
.L_overlay_start_1:
0x0: {  	(tag) =	ssettag $0x1  }
0x1: {  	s1 =	rddreg [dreg:$0x0];
	s2 =	srdreg.scid  }
0x2: {  	s4 =	rddreg [dreg:$0x1];
	s0 =	stileid.u32;
	s23 =	sand.u32 $0x1, s2  }
0x3: {  	s14 =	rddreg [dreg:$0x2];
	s5 =	sshll.u32 s0, $0xA;
	s6 =	sshll.u32 s23, $0x9  }
0x4: {  	s3 =	simm.s32 $0x0;
	s2 =	rddreg [dreg:$0x3];
	s15 =	sor.u32 s6, s5  }
0x5: {  	[smem:$0x7FF] =	sst s3;
	s5 =	sshrl.u32 s15, $0x3  }
0x6: {  	_ =	strace $0x80000047;
	s4 =	sadd.s32 s4, s5;
	s5 =	simm.s32 $0x9  }
0x7: {  	[tilespmem:s3], [sflag:$0x9] =	stream.linear.gather [hbm4b:s4+s3], $0x200, $0x38;
	[tilespmem:$0x10200] =	vst v63  }
0x8: {  	_ =	swait.ge [sflag:s5], $0x200  }
0x9: {  	[sflag:s5] =	ssyncset.done $0x0  }
0xa: {  	s7 =	simm.s32 $0x200;
	s6 =	simm.s32 $0x80;
	[sflag:s5] =	ssyncadd.s32 $0xFFFFFE00  }
0xb: {  	[tilespmem:s7], [sflag:$0x1] =	stream.indirect.gather [hbm4b:s1+s6], $0x80, s3, s6, $0xb8;
	[tilespmem:$0x10200] =	vst v63  }
0xc: {  	s8 =	simm.s32 $0x4200  }
0xd: {  	[tilespmem:s8], [sflag:$0x2] =	stream.indirect.gather [hbm4b:s1+s6], $0x80, s6, s6, $0xb8;
	[tilespmem:$0x10200] =	vst v63  }
0xe: {  	s9 =	simm.s32 $0x100;
	s10 =	simm.s32 $0x8200  }
0xf: {  	[tilespmem:s10], [sflag:$0x3] =	stream.indirect.gather [hbm4b:s1+s6], $0x80, s9, s6, $0xb8;
	[tilespmem:$0x10200] =	vst v63  }
0x10: {  	s11 =	simm.s32 $0x180;
	s12 =	simm.s32 $0xC200;
	s13 =	simm.s32 $0x1  }
0x11: {  	[tilespmem:s12], [sflag:$0x4] =	stream.indirect.gather [hbm4b:s1+s6], $0x80, s11, s6, $0xb8;
	[tilespmem:$0x10200] =	vst v63  }
0x12: {  	s15 =	sshll.u32 s15, $0x4;
	_ =	swait.ge [sflag:s13], $0x4000  }
0x13: {  	s20 =	sadd.s32 s15, s14;
	[sflag:s13] =	ssyncset.done $0x0  }
0x14: {  	s15 =	simm.s32 $0x2;
	s14 =	sadd.s32 $0x1C00, s20;
	[sflag:s13] =	ssyncadd.s32 $0xFFFFC000  }
0x15: {  	[hbm4b:s14+s3] =	stream.linear.scatter [tilespmem:s7], [sflag:$0x5], $0x4000, $0x38;
	[tilespmem:$0x10200] =	vst v63  }
0x16: {  	_ =	swait.ge [sflag:s15], $0x4000  }
0x17: {  	[sflag:s15] =	ssyncset.done $0x0  }
0x18: {  	s17 =	simm.s32 $0x3;
	s16 =	sadd.s32 $0x2400, s20;
	[sflag:s15] =	ssyncadd.s32 $0xFFFFC000  }
0x19: {  	[hbm4b:s16+s3] =	stream.linear.scatter [tilespmem:s8], [sflag:$0x6], $0x4000, $0x38;
	[tilespmem:$0x10200] =	vst v63  }
0x1a: {  	_ =	swait.ge [sflag:s17], $0x4000  }
0x1b: {  	[sflag:s17] =	ssyncset.done $0x0  }
0x1c: {  	s19 =	simm.s32 $0x4;
	s18 =	sadd.s32 $0x2C00, s20;
	[sflag:s17] =	ssyncadd.s32 $0xFFFFC000  }
0x1d: {  	[hbm4b:s18+s3] =	stream.linear.scatter [tilespmem:s10], [sflag:$0x7], $0x4000, $0x38;
	[tilespmem:$0x10200] =	vst v63  }
0x1e: {  	_ =	swait.ge [sflag:s19], $0x4000  }
0x1f: {  	[sflag:s19] =	ssyncset.done $0x0  }
0x20: {  	s21 =	simm.s32 $0x5;
	s20 =	sadd.s32 $0x3400, s20;
	[sflag:s19] =	ssyncadd.s32 $0xFFFFC000  }
0x21: {  	[hbm4b:s20+s3] =	stream.linear.scatter [tilespmem:s12], [sflag:$0x8], $0x4000, $0x38;
	[tilespmem:$0x10200] =	vst v63  }
0x22: {  	_ =	swait.ge [sflag:s21], $0x4000  }
0x23: {  	s24 =	ssub.s32 $0x2, s23;
	[sflag:s21] =	ssyncset.done $0x0  }
0x24: {  	s22 =	simm.s32 $0x6;
	s25 =	sshrl.u32 s24, $0x1;
	[sflag:s21] =	ssyncadd.s32 $0xFFFFC000  }
0x25: {  	s24 =	ssub.s32 s24, s25;
	_ =	swait.ge [sflag:s22], $0x4000  }
0x26: {  	s25 =	smax.u32 s24, $0x1;
	[sflag:s22] =	ssyncset.done $0x0  }
0x27: {  	s23 =	simm.s32 $0x7;
	p0 =	sne.s32 s25, $0x1;
	[sflag:s22] =	ssyncadd.s32 $0xFFFFC000  }
.Ltmp0:
0x28: {  	_ =	swait.ge [sflag:s23], $0x4000;
	(pc) =	sbr.rel @!p0 .LBB2_2-.Ltmp0, $4  }
0x29: {  	[sflag:s23] =	ssyncset.done $0x0  }
0x2a: {  	s24 =	simm.s32 $0x8;
	[sflag:s23] =	ssyncadd.s32 $0xFFFFC000  }
0x2b: {  	_ =	swait.ge [sflag:s24], $0x4000  }
0x2c: {  	s25 =	sadd.s32 $0xFFFFFFFF, s25;
	[sflag:s24] =	ssyncset.done $0x0  }
.LBB2_1:
0x2d: {  	p0 =	sne.s32 s25, $0x1;
	s25 =	sadd.s32 $0xFFFFFFFF, s25;
	[sflag:s24] =	ssyncadd.s32 $0xFFFFC000  }
0x2e: {  	[tilespmem:s3], [sflag:$0x9] =	stream.linear.gather [hbm4b:s4+s3], $0x200, $0x38;
	[tilespmem:$0x10200] =	vst v63  }
0x2f: {  	_ =	swait.ge [sflag:s5], $0x200  }
0x30: {  	[sflag:s5] =	ssyncset.done $0x0  }
0x31: {  	[sflag:s5] =	ssyncadd.s32 $0xFFFFFE00  }
0x32: {  	[tilespmem:s7], [sflag:$0x1] =	stream.indirect.gather [hbm4b:s1+s6], $0x80, s3, s6, $0xb8;
	[tilespmem:$0x10200] =	vst v63  }
0x33: {  	_ = 	snop  }
0x34: {  	[tilespmem:s8], [sflag:$0x2] =	stream.indirect.gather [hbm4b:s1+s6], $0x80, s6, s6, $0xb8;
	[tilespmem:$0x10200] =	vst v63  }
0x35: {  	_ = 	snop  }
0x36: {  	[tilespmem:s10], [sflag:$0x3] =	stream.indirect.gather [hbm4b:s1+s6], $0x80, s9, s6, $0xb8;
	[tilespmem:$0x10200] =	vst v63  }
0x37: {  	_ = 	snop  }
0x38: {  	[tilespmem:s12], [sflag:$0x4] =	stream.indirect.gather [hbm4b:s1+s6], $0x80, s11, s6, $0xb8;
	[tilespmem:$0x10200] =	vst v63  }
0x39: {  	_ =	swait.ge [sflag:s13], $0x4000  }
0x3a: {  	[sflag:s13] =	ssyncset.done $0x0  }
0x3b: {  	[sflag:s13] =	ssyncadd.s32 $0xFFFFC000  }
0x3c: {  	[hbm4b:s14+s3] =	stream.linear.scatter [tilespmem:s7], [sflag:$0x5], $0x4000, $0x38;
	[tilespmem:$0x10200] =	vst v63  }
0x3d: {  	_ =	swait.ge [sflag:s15], $0x4000  }
0x3e: {  	[sflag:s15] =	ssyncset.done $0x0  }
0x3f: {  	[sflag:s15] =	ssyncadd.s32 $0xFFFFC000  }
0x40: {  	[hbm4b:s16+s3] =	stream.linear.scatter [tilespmem:s8], [sflag:$0x6], $0x4000, $0x38;
	[tilespmem:$0x10200] =	vst v63  }
0x41: {  	_ =	swait.ge [sflag:s17], $0x4000  }
0x42: {  	[sflag:s17] =	ssyncset.done $0x0  }
0x43: {  	[sflag:s17] =	ssyncadd.s32 $0xFFFFC000  }
0x44: {  	[hbm4b:s18+s3] =	stream.linear.scatter [tilespmem:s10], [sflag:$0x7], $0x4000, $0x38;
	[tilespmem:$0x10200] =	vst v63  }
0x45: {  	_ =	swait.ge [sflag:s19], $0x4000  }
0x46: {  	[sflag:s19] =	ssyncset.done $0x0  }
0x47: {  	[sflag:s19] =	ssyncadd.s32 $0xFFFFC000  }
0x48: {  	[hbm4b:s20+s3] =	stream.linear.scatter [tilespmem:s12], [sflag:$0x8], $0x4000, $0x38;
	[tilespmem:$0x10200] =	vst v63  }
0x49: {  	_ =	swait.ge [sflag:s21], $0x4000  }
0x4a: {  	[sflag:s21] =	ssyncset.done $0x0  }
0x4b: {  	[sflag:s21] =	ssyncadd.s32 $0xFFFFC000  }
0x4c: {  	_ =	swait.ge [sflag:s22], $0x4000  }
0x4d: {  	[sflag:s22] =	ssyncset.done $0x0  }
0x4e: {  	[sflag:s22] =	ssyncadd.s32 $0xFFFFC000  }
.Ltmp1:
0x4f: {  	_ =	swait.ge [sflag:s23], $0x4000;
	(pc) =	sbr.rel @p0 .LBB2_1-.Ltmp1, $4  }
0x50: {  	[sflag:s23] =	ssyncset.done $0x0  }
0x51: {  	[sflag:s23] =	ssyncadd.s32 $0xFFFFC000  }
0x52: {  	_ =	swait.ge [sflag:s24], $0x4000  }
0x53: {  	[sflag:s24] =	ssyncset.done $0x0  }
.LBB2_2:
0x54: {  	[sflag:s24] =	ssyncadd.s32 $0xFFFFC000  }
0x55: {  	_ =	sfence.sel $0x180000  }
0x56: {  	[bflag:$0x0] =	sbarrier.arrive $0xFFFF  }
0x57: {  	p0 =	sne.s32 s0, $0x0;
	_ =	strace $0x90000047  }
0x58: {  	s0 =	sadd.s32 @!p0 $0x100000, s2;
	[bflag:$0x2] =	sbarrier.arrive $0xFFFF  }
0x59: {  	[sflag:s0] =	ssyncadd.tile.s32 @!p0 $0x1;
	_ =	shalt  }
.Lfunc_end2:
_tile_overlayer_lowered:
.L_overlay_start_2:
0x5a: {  	(tag) =	ssettag $0x2  }
0x5b: {  	s0 =	rddreg [dreg:$0x0];
	s2 =	stileid.u32  }
0x5c: {  	s1 =	rddreg [dreg:$0x1];
	p0 =	sne.s32 s2, $0x0  }
0x5d: {  	s3 =	rddreg [dreg:$0x2];
	[bflag:$0x3] =	sbarrier.arrive $0xFFFF;
	s2 =	simm.s32 @!p0 $0x1C09  }
0x5e: {  	[timem:s3], [sflag:s2] =	dma.local @!p0 [hbm:s0], s1  }
0x5f: {  	s0 =	simm.s32 @!p0 $0x9  }
0x60: {  	_ =	swait.ge @!p0 [sflag:s0], s1  }
0x61: {  	s1 =	ssub.s32 @!p0 $0x0, s1;
	[sflag:s0] =	ssyncset.done @!p0 $0x0  }
0x62: {  	[sflag:s0] =	ssyncadd.s32 @!p0 s1  }
0x63: {  	[bflag:$0x3] =	sbarrier.arrive $0xFFFF  }
0x64: {  	_ =	shalt  }

</sc_bundles>
